<compile_context>
chip_gen: v7x
topology: tpu7x:2x2x1
jax: 0.10.2.dev20260603
libtpu: 0.0.44.dev20260713+nightly
codegen_flags: <defaults>
</compile_context>

<pallas_src>
import functools

import jax
import jax.numpy as jnp
from jax import lax
from jax.experimental import pallas as pl
from jax.experimental.pallas import tpu as pltpu
from jax.experimental.pallas import tpu_sc as plsc

N = 10000
E = 320000
D = 128
NPAD = 10240
NSUB = 16
EDGES_PER_SUB = E // NSUB
EDGE_VECS = EDGES_PER_SUB // 16
NODES_PER_SUB = NPAD // NSUB
ROW_BLOCK = 640


def _tc_body(x_ref, e_ref, w1_ref, w2_ref, t_ref, rb_ref):
    res = jnp.dot(x_ref[...], w1_ref[...], preferred_element_type=jnp.float32)
    res = res + jnp.dot(e_ref[...], w2_ref[...],
                        preferred_element_type=jnp.float32)
    t_ref[...] = res[:, 0:1]
    rb_ref[...] = res[:, 1:2]


def _project(x, extra, w1, w2):
    grid = NPAD // ROW_BLOCK
    return pl.pallas_call(
        _tc_body,
        grid=(grid,),
        in_specs=[
            pl.BlockSpec((ROW_BLOCK, D), lambda i: (i, 0)),
            pl.BlockSpec((ROW_BLOCK, 8), lambda i: (i, 0)),
            pl.BlockSpec((D, 2), lambda i: (0, 0)),
            pl.BlockSpec((8, 2), lambda i: (0, 0)),
        ],
        out_specs=[
            pl.BlockSpec((ROW_BLOCK, 1), lambda i: (i, 0)),
            pl.BlockSpec((ROW_BLOCK, 1), lambda i: (i, 0)),
        ],
        out_shape=[
            jax.ShapeDtypeStruct((NPAD, 1), jnp.float32),
            jax.ShapeDtypeStruct((NPAD, 1), jnp.float32),
        ],
    )(x, extra, w1, w2)


def _sc_scatter(t, rb, src, dst):
    mesh = plsc.VectorSubcoreMesh(
        core_axis_name="c", subcore_axis_name="s", num_cores=1)

    @functools.partial(
        pl.kernel,
        out_type=jax.ShapeDtypeStruct((NPAD,), jnp.float32),
        mesh=mesh,
        scratch_types=[
            pltpu.VMEM((NPAD,), jnp.float32),
            pltpu.VMEM((EDGES_PER_SUB,), jnp.int32),
            pltpu.VMEM((EDGES_PER_SUB,), jnp.int32),
            pltpu.VMEM((NPAD,), jnp.float32),
            pltpu.VMEM((NSUB, NODES_PER_SUB), jnp.float32),
            pltpu.VMEM((NODES_PER_SUB,), jnp.float32),
            pltpu.VMEM((NODES_PER_SUB,), jnp.float32),
            pltpu.VMEM_SHARED((NSUB, NPAD), jnp.float32),
        ],
        compiler_params=pltpu.CompilerParams(needs_layout_passes=False),
    )
    def run(t_hbm, rb_hbm, src_hbm, dst_hbm, out_hbm,
            t_loc, src_loc, dst_loc, partial, tmp, rb_loc, out_loc, acc):
        sid = lax.axis_index("s")
        ebase = sid * EDGES_PER_SUB

        pltpu.sync_copy(t_hbm, t_loc)
        pltpu.sync_copy(src_hbm.at[pl.ds(ebase, EDGES_PER_SUB)], src_loc)
        pltpu.sync_copy(dst_hbm.at[pl.ds(ebase, EDGES_PER_SUB)], dst_loc)

        def zero_body(i, _):
            partial[pl.ds(i * 16, 16)] = jnp.zeros((16,), jnp.float32)
            return 0
        lax.fori_loop(0, NPAD // 16, zero_body, 0)

        def edge_body(i, _):
            off = i * 16
            s = src_loc[pl.ds(off, 16)]
            d = dst_loc[pl.ds(off, 16)]
            v = plsc.load_gather(t_loc, [s])
            plsc.addupdate_scatter(partial, [d], v)
            return 0
        lax.fori_loop(0, EDGE_VECS, edge_body, 0)

        pltpu.sync_copy(partial, acc.at[sid])
        plsc.subcore_barrier()

        nbase = sid * NODES_PER_SUB
        pltpu.sync_copy(acc.at[:, pl.ds(nbase, NODES_PER_SUB)], tmp)
        pltpu.sync_copy(rb_hbm.at[pl.ds(nbase, NODES_PER_SUB)], rb_loc)

        def red_body(j, _):
            col = j * 16
            v = tmp[0, pl.ds(col, 16)]
            for p in range(1, NSUB):
                v = v + tmp[p, pl.ds(col, 16)]
            v = v + rb_loc[pl.ds(col, 16)]
            out_loc[pl.ds(col, 16)] = v
            return 0
        lax.fori_loop(0, NODES_PER_SUB // 16, red_body, 0)

        pltpu.sync_copy(out_loc, out_hbm.at[pl.ds(nbase, NODES_PER_SUB)])

    return run(t, rb, src, dst)


def kernel(x, edges, rot, pos, batch, front_ptr, back_ptr, flat_new_idx,
           W_rel, b_rel, W_root):
    w1 = jnp.concatenate([W_rel[:D], W_root[:D]], axis=1)
    w2_top = jnp.concatenate([W_rel[D:], W_root[D:]], axis=1)
    w2_bias = jnp.concatenate(
        [jnp.zeros((1, 1), jnp.float32), b_rel.reshape(1, 1)], axis=1)
    w2 = jnp.concatenate([w2_top, w2_bias], axis=0)
    extra = jnp.concatenate(
        [pos, rot, jnp.ones((N, 1), jnp.float32)], axis=1)

    t, rb = _project(x, extra, w1, w2)
    t = t.reshape(NPAD)
    rb = rb.reshape(NPAD)

    out = _sc_scatter(t, rb, edges[0], edges[1])
    return out[:N].reshape(N, 1)

# --- scband reference (transcript-rebuilt; emitter-appended) ---
"""Pipeline reference for scband-gnn-49271864820443 (READ-ONLY COPY).

The authoritative reference and input builder live on the scoring server;
editing this copy changes nothing except your own understanding.
"""

import jax, jax.numpy as jnp
import numpy as np

N = 10000
E = 320000
D = 128
IN = D + 3 + 4  # 135
OUT = 1
B = 16

def setup_inputs(seed: int = 0) -> dict:
    key = jax.random.key(seed)
    ks = jax.random.split(key, 12)
    x = jax.random.normal(ks[0], (N, D), dtype=jnp.float32)
    edges = jax.random.randint(ks[1], (2, E), 0, N)
    rot = jax.random.normal(ks[2], (N, 4), dtype=jnp.float32)
    pos = jax.random.normal(ks[3], (N, 3), dtype=jnp.float32)
    batch = jnp.sort(jax.random.randint(ks[4], (N,), 0, B))
    front_ptr = jnp.sort(jax.random.randint(ks[5], (B + 1,), 0, N))
    back_ptr = jnp.sort(jax.random.randint(ks[6], (B + 1,), 0, N))
    flat_new_idx = jax.random.randint(ks[7], (N,), 0, N)
    # GraphConv(size, 1) parameters: lin_rel (with bias) applied to aggregated
    # neighbor features, lin_root (no bias) applied to self features.
    W_rel = jax.random.normal(ks[8], (IN, OUT), dtype=jnp.float32) * 0.05
    b_rel = jnp.zeros((OUT,), dtype=jnp.float32)
    W_root = jax.random.normal(ks[9], (IN, OUT), dtype=jnp.float32) * 0.05
    return {
        "x": x, "edges": edges, "rot": rot, "pos": pos, "batch": batch,
        "front_ptr": front_ptr, "back_ptr": back_ptr, "flat_new_idx": flat_new_idx,
        "W_rel": W_rel, "b_rel": b_rel, "W_root": W_root,
    }


def reference(x, edges, rot, pos, batch, front_ptr, back_ptr, flat_new_idx, W_rel, b_rel, W_root):
    # h = cat([x, pos, rot], dim=-1)
    h = jnp.concatenate([x, pos, rot], axis=-1)  # [N, 135]
    src = edges[0]
    dst = edges[1]
    # PyG GraphConv with aggr='add': out_i = lin_rel(sum_{j->i} h_j) + lin_root(h_i)
    msgs = jnp.take(h, src, axis=0)              # gather [E, 135]
    agg = jax.ops.segment_sum(msgs, dst, num_segments=h.shape[0])  # scatter-add [N, 135]
    out = agg @ W_rel + b_rel + h @ W_root       # [N, 1]
    return out

if __name__ == "__main__":
    import jax
    _d = setup_inputs()
    print(jax.jit(kernel)(*tuple(_d.values())))

</pallas_src>

<mosaic_0001>
#map = affine_map<(d0, d1) -> (0)>
module attributes {stable_mosaic.version = 14 : i64} {
  func.func @run(%arg0: i32, %arg1: i32, %arg2: memref<10240xf32, #tpu.memory_space<hbm>>, %arg3: memref<10240xf32, #tpu.memory_space<hbm>>, %arg4: memref<320000xi32, #tpu.memory_space<hbm>>, %arg5: memref<320000xi32, #tpu.memory_space<hbm>>, %arg6: memref<10240xf32, #tpu.memory_space<hbm>>, %arg7: memref<10240xf32, #tpu.memory_space<vmem>>, %arg8: memref<20000xi32, #tpu.memory_space<vmem>>, %arg9: memref<20000xi32, #tpu.memory_space<vmem>>, %arg10: memref<10240xf32, #tpu.memory_space<vmem>>, %arg11: memref<16x640xf32, #tpu.memory_space<vmem>>, %arg12: memref<640xf32, #tpu.memory_space<vmem>>, %arg13: memref<640xf32, #tpu.memory_space<vmem>>, %arg14: memref<16x10240xf32, #tpu.memory_space<vmem_shared>>) attributes {dimension_semantics = [#tpu.dimension_semantics<core_parallel>, #tpu.dimension_semantics<subcore_parallel>], iteration_bounds = array<i64: 1, 16>, scalar_prefetch = 0 : i64, scratch_operands = 8 : i64, tpu.core_type = #tpu.core_type<sc_vector_subcore>, window_params = [{transform_indices = #map}, {transform_indices = #map}, {transform_indices = #map}, {transform_indices = #map}, {transform_indices = #map}]} {
    %mul3A = arith.constant 20000 : i32
    %mul3A_0 = arith.muli %arg1, %mul3A : i32
    "tpu.region"() ({
      %run_scoped3A = tpu.sem_alloc : memref<!tpu.dma_semaphore, #tpu.memory_space<semaphore_mem>>
      tpu.enqueue_dma source(%arg2 : memref<10240xf32, #tpu.memory_space<hbm>>) target(%arg7 : memref<10240xf32, #tpu.memory_space<vmem>>) target_semaphore(%run_scoped3A : memref<!tpu.dma_semaphore, #tpu.memory_space<semaphore_mem>>)
      tpu.wait_dma2 semaphore(%run_scoped3A : memref<!tpu.dma_semaphore, #tpu.memory_space<semaphore_mem>>) src(%arg2 : memref<10240xf32, #tpu.memory_space<hbm>>) dst(%arg7 : memref<10240xf32, #tpu.memory_space<vmem>>)
      tpu.yield
    }) : () -> ()
    "tpu.region"() ({
      %run_scoped3A = tpu.sem_alloc : memref<!tpu.dma_semaphore, #tpu.memory_space<semaphore_mem>>
      %dma_start3A = tpu.memref_slice %arg4[%mul3A_0] : memref<320000xi32, #tpu.memory_space<hbm>> -> memref<20000xi32, #tpu.memory_space<hbm>>
      %dma_start3A_23 = tpu.memref_slice %arg4[%mul3A_0] : memref<320000xi32, #tpu.memory_space<hbm>> -> memref<20000xi32, #tpu.memory_space<hbm>>
      tpu.enqueue_dma source(%dma_start3A_23 : memref<20000xi32, #tpu.memory_space<hbm>>) target(%arg8 : memref<20000xi32, #tpu.memory_space<vmem>>) target_semaphore(%run_scoped3A : memref<!tpu.dma_semaphore, #tpu.memory_space<semaphore_mem>>)
      %dma_wait3A = tpu.memref_slice %arg4[%mul3A_0] : memref<320000xi32, #tpu.memory_space<hbm>> -> memref<20000xi32, #tpu.memory_space<hbm>>
      %dma_wait3A_24 = tpu.memref_slice %arg4[%mul3A_0] : memref<320000xi32, #tpu.memory_space<hbm>> -> memref<20000xi32, #tpu.memory_space<hbm>>
      tpu.wait_dma2 semaphore(%run_scoped3A : memref<!tpu.dma_semaphore, #tpu.memory_space<semaphore_mem>>) src(%dma_wait3A_24 : memref<20000xi32, #tpu.memory_space<hbm>>) dst(%arg8 : memref<20000xi32, #tpu.memory_space<vmem>>)
      tpu.yield
    }) : () -> ()
    "tpu.region"() ({
      %run_scoped3A = tpu.sem_alloc : memref<!tpu.dma_semaphore, #tpu.memory_space<semaphore_mem>>
      %dma_start3A = tpu.memref_slice %arg5[%mul3A_0] : memref<320000xi32, #tpu.memory_space<hbm>> -> memref<20000xi32, #tpu.memory_space<hbm>>
      %dma_start3A_23 = tpu.memref_slice %arg5[%mul3A_0] : memref<320000xi32, #tpu.memory_space<hbm>> -> memref<20000xi32, #tpu.memory_space<hbm>>
      tpu.enqueue_dma source(%dma_start3A_23 : memref<20000xi32, #tpu.memory_space<hbm>>) target(%arg9 : memref<20000xi32, #tpu.memory_space<vmem>>) target_semaphore(%run_scoped3A : memref<!tpu.dma_semaphore, #tpu.memory_space<semaphore_mem>>)
      %dma_wait3A = tpu.memref_slice %arg5[%mul3A_0] : memref<320000xi32, #tpu.memory_space<hbm>> -> memref<20000xi32, #tpu.memory_space<hbm>>
      %dma_wait3A_24 = tpu.memref_slice %arg5[%mul3A_0] : memref<320000xi32, #tpu.memory_space<hbm>> -> memref<20000xi32, #tpu.memory_space<hbm>>
      tpu.wait_dma2 semaphore(%run_scoped3A : memref<!tpu.dma_semaphore, #tpu.memory_space<semaphore_mem>>) src(%dma_wait3A_24 : memref<20000xi32, #tpu.memory_space<hbm>>) dst(%arg9 : memref<20000xi32, #tpu.memory_space<vmem>>)
      tpu.yield
    }) : () -> ()
    %scan3A = arith.constant 0 : i32
    %scan3A_1 = arith.constant 0 : i32
    %scan3A_2 = arith.constant 640 : i32
    %scan3A_3 = arith.addi %scan3A_1, %scan3A_2 : i32
    %scan3A_4 = arith.constant 1 : i32
    %scan3A_5 = scf.for %scan3A_23 = %scan3A_1 to %scan3A_3 step %scan3A_4 iter_args(%scan3A_24 = %scan3A) -> (i32)  : i32 {
      %broadcast_in_dim3A = arith.constant 0.000000e+00 : f32
      %broadcast_in_dim3A_25 = vector.broadcast %broadcast_in_dim3A : f32 to vector<16xf32>
      %mul3A_26 = arith.constant 16 : i32
      %mul3A_27 = arith.muli %scan3A_23, %mul3A_26 : i32
      %swap3A = arith.index_cast %mul3A_27 : i32 to index
      %swap3A_28 = tpu.vector_load %arg10[%swap3A] {strides = array<i32>} : memref<10240xf32, #tpu.memory_space<vmem>>, vector<16xf32>,
      tpu.vector_store %arg10[%swap3A], %broadcast_in_dim3A_25 {strides = array<i32>} : memref<10240xf32, #tpu.memory_space<vmem>>, vector<16xf32>,
      %scan3A_29 = arith.constant 0 : i32
      scf.yield %scan3A_29 : i32
    }
    %scan3A_6 = arith.constant 640 : i32
    %scan3A_7 = arith.constant 0 : i32
    %scan3A_8 = arith.constant 0 : i32
    %scan3A_9 = arith.constant 1250 : i32
    %scan3A_10 = arith.addi %scan3A_8, %scan3A_9 : i32
    %scan3A_11 = arith.constant 1 : i32
    %scan3A_12 = scf.for %scan3A_23 = %scan3A_8 to %scan3A_10 step %scan3A_11 iter_args(%scan3A_24 = %scan3A_7) -> (i32)  : i32 {
      %mul3A_25 = arith.constant 16 : i32
      %mul3A_26 = arith.muli %scan3A_23, %mul3A_25 : i32
      %get3A = arith.index_cast %mul3A_26 : i32 to index
      %get3A_27 = tpu.vector_load %arg8[%get3A] {strides = array<i32>} : memref<20000xi32, #tpu.memory_space<vmem>>, vector<16xi32>,
      %get3A_28 = arith.index_cast %mul3A_26 : i32 to index
      %get3A_29 = tpu.vector_load %arg9[%get3A_28] {strides = array<i32>} : memref<20000xi32, #tpu.memory_space<vmem>>, vector<16xi32>,
      %gather3A = tpu.vector_load_idx %arg7[%get3A_27] : memref<10240xf32, #tpu.memory_space<vmem>>[vector<16xi32>], vector<16xf32>,
      tpu.vector_store_idx %arg10[%get3A_29], %gather3A {add = true} : memref<10240xf32, #tpu.memory_space<vmem>>[vector<16xi32>], vector<16xf32>,
      %scan3A_30 = arith.constant 0 : i32
      scf.yield %scan3A_30 : i32
    }
    %scan3A_13 = arith.constant 1250 : i32
    "tpu.region"() ({
      %run_scoped3A = tpu.sem_alloc : memref<!tpu.dma_semaphore, #tpu.memory_space<semaphore_mem>>
      %dma_start3A = arith.constant 0 : i32
      %dma_start3A_23 = tpu.memref_slice %arg14[%arg1, %dma_start3A] : memref<16x10240xf32, #tpu.memory_space<vmem_shared>> -> memref<1x10240xf32, #tpu.memory_space<vmem_shared>>
      %dma_start3A_24 = tpu.memref_squeeze %dma_start3A_23 : memref<1x10240xf32, #tpu.memory_space<vmem_shared>> -> memref<10240xf32, #tpu.memory_space<vmem_shared>>
      %dma_start3A_25 = arith.constant 0 : i32
      %dma_start3A_26 = tpu.memref_slice %arg14[%arg1, %dma_start3A_25] : memref<16x10240xf32, #tpu.memory_space<vmem_shared>> -> memref<1x10240xf32, #tpu.memory_space<vmem_shared>>
      %dma_start3A_27 = tpu.memref_squeeze %dma_start3A_26 : memref<1x10240xf32, #tpu.memory_space<vmem_shared>> -> memref<10240xf32, #tpu.memory_space<vmem_shared>>
      tpu.enqueue_dma source(%arg10 : memref<10240xf32, #tpu.memory_space<vmem>>) target(%dma_start3A_27 : memref<10240xf32, #tpu.memory_space<vmem_shared>>) target_semaphore(%run_scoped3A : memref<!tpu.dma_semaphore, #tpu.memory_space<semaphore_mem>>)
      %dma_wait3A = arith.constant 0 : i32
      %dma_wait3A_28 = tpu.memref_slice %arg14[%arg1, %dma_wait3A] : memref<16x10240xf32, #tpu.memory_space<vmem_shared>> -> memref<1x10240xf32, #tpu.memory_space<vmem_shared>>
      %dma_wait3A_29 = tpu.memref_squeeze %dma_wait3A_28 : memref<1x10240xf32, #tpu.memory_space<vmem_shared>> -> memref<10240xf32, #tpu.memory_space<vmem_shared>>
      %dma_wait3A_30 = arith.constant 0 : i32
      %dma_wait3A_31 = tpu.memref_slice %arg14[%arg1, %dma_wait3A_30] : memref<16x10240xf32, #tpu.memory_space<vmem_shared>> -> memref<1x10240xf32, #tpu.memory_space<vmem_shared>>
      %dma_wait3A_32 = tpu.memref_squeeze %dma_wait3A_31 : memref<1x10240xf32, #tpu.memory_space<vmem_shared>> -> memref<10240xf32, #tpu.memory_space<vmem_shared>>
      tpu.wait_dma2 semaphore(%run_scoped3A : memref<!tpu.dma_semaphore, #tpu.memory_space<semaphore_mem>>) src(%arg10 : memref<10240xf32, #tpu.memory_space<vmem>>) dst(%dma_wait3A_32 : memref<10240xf32, #tpu.memory_space<vmem_shared>>)
      tpu.yield
    }) : () -> ()
    %barrier3A = arith.constant 0 : index
    tpu.barrier barrier_id(%barrier3A)
    %mul3A_14 = arith.constant 640 : i32
    %mul3A_15 = arith.muli %arg1, %mul3A_14 : i32
    "tpu.region"() ({
      %run_scoped3A = tpu.sem_alloc : memref<!tpu.dma_semaphore, #tpu.memory_space<semaphore_mem>>
      %dma_start3A = arith.constant 0 : i32
      %dma_start3A_23 = tpu.memref_slice %arg14[%dma_start3A, %mul3A_15] : memref<16x10240xf32, #tpu.memory_space<vmem_shared>> -> memref<16x640xf32, #tpu.memory_space<vmem_shared>>
      %dma_start3A_24 = arith.constant 0 : i32
      %dma_start3A_25 = tpu.memref_slice %arg14[%dma_start3A_24, %mul3A_15] : memref<16x10240xf32, #tpu.memory_space<vmem_shared>> -> memref<16x640xf32, #tpu.memory_space<vmem_shared>>
      tpu.enqueue_dma source(%dma_start3A_25 : memref<16x640xf32, #tpu.memory_space<vmem_shared>>) target(%arg11 : memref<16x640xf32, #tpu.memory_space<vmem>>) target_semaphore(%run_scoped3A : memref<!tpu.dma_semaphore, #tpu.memory_space<semaphore_mem>>)
      %dma_wait3A = arith.constant 0 : i32
      %dma_wait3A_26 = tpu.memref_slice %arg14[%dma_wait3A, %mul3A_15] : memref<16x10240xf32, #tpu.memory_space<vmem_shared>> -> memref<16x640xf32, #tpu.memory_space<vmem_shared>>
      %dma_wait3A_27 = arith.constant 0 : i32
      %dma_wait3A_28 = tpu.memref_slice %arg14[%dma_wait3A_27, %mul3A_15] : memref<16x10240xf32, #tpu.memory_space<vmem_shared>> -> memref<16x640xf32, #tpu.memory_space<vmem_shared>>
      tpu.wait_dma2 semaphore(%run_scoped3A : memref<!tpu.dma_semaphore, #tpu.memory_space<semaphore_mem>>) src(%dma_wait3A_28 : memref<16x640xf32, #tpu.memory_space<vmem_shared>>) dst(%arg11 : memref<16x640xf32, #tpu.memory_space<vmem>>)
      tpu.yield
    }) : () -> ()
    "tpu.region"() ({
      %run_scoped3A = tpu.sem_alloc : memref<!tpu.dma_semaphore, #tpu.memory_space<semaphore_mem>>
      %dma_start3A = tpu.memref_slice %arg3[%mul3A_15] : memref<10240xf32, #tpu.memory_space<hbm>> -> memref<640xf32, #tpu.memory_space<hbm>>
      %dma_start3A_23 = tpu.memref_slice %arg3[%mul3A_15] : memref<10240xf32, #tpu.memory_space<hbm>> -> memref<640xf32, #tpu.memory_space<hbm>>
      tpu.enqueue_dma source(%dma_start3A_23 : memref<640xf32, #tpu.memory_space<hbm>>) target(%arg12 : memref<640xf32, #tpu.memory_space<vmem>>) target_semaphore(%run_scoped3A : memref<!tpu.dma_semaphore, #tpu.memory_space<semaphore_mem>>)
      %dma_wait3A = tpu.memref_slice %arg3[%mul3A_15] : memref<10240xf32, #tpu.memory_space<hbm>> -> memref<640xf32, #tpu.memory_space<hbm>>
      %dma_wait3A_24 = tpu.memref_slice %arg3[%mul3A_15] : memref<10240xf32, #tpu.memory_space<hbm>> -> memref<640xf32, #tpu.memory_space<hbm>>
      tpu.wait_dma2 semaphore(%run_scoped3A : memref<!tpu.dma_semaphore, #tpu.memory_space<semaphore_mem>>) src(%dma_wait3A_24 : memref<640xf32, #tpu.memory_space<hbm>>) dst(%arg12 : memref<640xf32, #tpu.memory_space<vmem>>)
      tpu.yield
    }) : () -> ()
    %scan3A_16 = arith.constant 0 : i32
    %scan3A_17 = arith.constant 0 : i32
    %scan3A_18 = arith.constant 40 : i32
    %scan3A_19 = arith.addi %scan3A_17, %scan3A_18 : i32
    %scan3A_20 = arith.constant 1 : i32
    %scan3A_21 = scf.for %scan3A_23 = %scan3A_17 to %scan3A_19 step %scan3A_20 iter_args(%scan3A_24 = %scan3A_16) -> (i32)  : i32 {
      %mul3A_25 = arith.constant 16 : i32
      %mul3A_26 = arith.muli %scan3A_23, %mul3A_25 : i32
      %get3A = arith.constant 0 : i32
      %get3A_27 = arith.index_cast %get3A : i32 to index
      %get3A_28 = arith.index_cast %mul3A_26 : i32 to index
      %get3A_29 = tpu.vector_load %arg11[%get3A_27, %get3A_28] {strides = array<i32>} : memref<16x640xf32, #tpu.memory_space<vmem>>, vector<16xf32>,
      %get3A_30 = arith.constant 1 : i32
      %get3A_31 = arith.index_cast %get3A_30 : i32 to index
      %get3A_32 = arith.index_cast %mul3A_26 : i32 to index
      %get3A_33 = tpu.vector_load %arg11[%get3A_31, %get3A_32] {strides = array<i32>} : memref<16x640xf32, #tpu.memory_space<vmem>>, vector<16xf32>,
      %add3A = arith.addf %get3A_29, %get3A_33 : vector<16xf32>
      %get3A_34 = arith.constant 2 : i32
      %get3A_35 = arith.index_cast %get3A_34 : i32 to index
      %get3A_36 = arith.index_cast %mul3A_26 : i32 to index
      %get3A_37 = tpu.vector_load %arg11[%get3A_35, %get3A_36] {strides = array<i32>} : memref<16x640xf32, #tpu.memory_space<vmem>>, vector<16xf32>,
      %add3A_38 = arith.addf %add3A, %get3A_37 : vector<16xf32>
      %get3A_39 = arith.constant 3 : i32
      %get3A_40 = arith.index_cast %get3A_39 : i32 to index
      %get3A_41 = arith.index_cast %mul3A_26 : i32 to index
      %get3A_42 = tpu.vector_load %arg11[%get3A_40, %get3A_41] {strides = array<i32>} : memref<16x640xf32, #tpu.memory_space<vmem>>, vector<16xf32>,
      %add3A_43 = arith.addf %add3A_38, %get3A_42 : vector<16xf32>
      %get3A_44 = arith.constant 4 : i32
      %get3A_45 = arith.index_cast %get3A_44 : i32 to index
      %get3A_46 = arith.index_cast %mul3A_26 : i32 to index
      %get3A_47 = tpu.vector_load %arg11[%get3A_45, %get3A_46] {strides = array<i32>} : memref<16x640xf32, #tpu.memory_space<vmem>>, vector<16xf32>,
      %add3A_48 = arith.addf %add3A_43, %get3A_47 : vector<16xf32>
      %get3A_49 = arith.constant 5 : i32
      %get3A_50 = arith.index_cast %get3A_49 : i32 to index
      %get3A_51 = arith.index_cast %mul3A_26 : i32 to index
      %get3A_52 = tpu.vector_load %arg11[%get3A_50, %get3A_51] {strides = array<i32>} : memref<16x640xf32, #tpu.memory_space<vmem>>, vector<16xf32>,
      %add3A_53 = arith.addf %add3A_48, %get3A_52 : vector<16xf32>
      %get3A_54 = arith.constant 6 : i32
      %get3A_55 = arith.index_cast %get3A_54 : i32 to index
      %get3A_56 = arith.index_cast %mul3A_26 : i32 to index
      %get3A_57 = tpu.vector_load %arg11[%get3A_55, %get3A_56] {strides = array<i32>} : memref<16x640xf32, #tpu.memory_space<vmem>>, vector<16xf32>,
      %add3A_58 = arith.addf %add3A_53, %get3A_57 : vector<16xf32>
      %get3A_59 = arith.constant 7 : i32
      %get3A_60 = arith.index_cast %get3A_59 : i32 to index
      %get3A_61 = arith.index_cast %mul3A_26 : i32 to index
      %get3A_62 = tpu.vector_load %arg11[%get3A_60, %get3A_61] {strides = array<i32>} : memref<16x640xf32, #tpu.memory_space<vmem>>, vector<16xf32>,
      %add3A_63 = arith.addf %add3A_58, %get3A_62 : vector<16xf32>
      %get3A_64 = arith.constant 8 : i32
      %get3A_65 = arith.index_cast %get3A_64 : i32 to index
      %get3A_66 = arith.index_cast %mul3A_26 : i32 to index
      %get3A_67 = tpu.vector_load %arg11[%get3A_65, %get3A_66] {strides = array<i32>} : memref<16x640xf32, #tpu.memory_space<vmem>>, vector<16xf32>,
      %add3A_68 = arith.addf %add3A_63, %get3A_67 : vector<16xf32>
      %get3A_69 = arith.constant 9 : i32
      %get3A_70 = arith.index_cast %get3A_69 : i32 to index
      %get3A_71 = arith.index_cast %mul3A_26 : i32 to index
      %get3A_72 = tpu.vector_load %arg11[%get3A_70, %get3A_71] {strides = array<i32>} : memref<16x640xf32, #tpu.memory_space<vmem>>, vector<16xf32>,
      %add3A_73 = arith.addf %add3A_68, %get3A_72 : vector<16xf32>
      %get3A_74 = arith.constant 10 : i32
      %get3A_75 = arith.index_cast %get3A_74 : i32 to index
      %get3A_76 = arith.index_cast %mul3A_26 : i32 to index
      %get3A_77 = tpu.vector_load %arg11[%get3A_75, %get3A_76] {strides = array<i32>} : memref<16x640xf32, #tpu.memory_space<vmem>>, vector<16xf32>,
      %add3A_78 = arith.addf %add3A_73, %get3A_77 : vector<16xf32>
      %get3A_79 = arith.constant 11 : i32
      %get3A_80 = arith.index_cast %get3A_79 : i32 to index
      %get3A_81 = arith.index_cast %mul3A_26 : i32 to index
      %get3A_82 = tpu.vector_load %arg11[%get3A_80, %get3A_81] {strides = array<i32>} : memref<16x640xf32, #tpu.memory_space<vmem>>, vector<16xf32>,
      %add3A_83 = arith.addf %add3A_78, %get3A_82 : vector<16xf32>
      %get3A_84 = arith.constant 12 : i32
      %get3A_85 = arith.index_cast %get3A_84 : i32 to index
      %get3A_86 = arith.index_cast %mul3A_26 : i32 to index
      %get3A_87 = tpu.vector_load %arg11[%get3A_85, %get3A_86] {strides = array<i32>} : memref<16x640xf32, #tpu.memory_space<vmem>>, vector<16xf32>,
      %add3A_88 = arith.addf %add3A_83, %get3A_87 : vector<16xf32>
      %get3A_89 = arith.constant 13 : i32
      %get3A_90 = arith.index_cast %get3A_89 : i32 to index
      %get3A_91 = arith.index_cast %mul3A_26 : i32 to index
      %get3A_92 = tpu.vector_load %arg11[%get3A_90, %get3A_91] {strides = array<i32>} : memref<16x640xf32, #tpu.memory_space<vmem>>, vector<16xf32>,
      %add3A_93 = arith.addf %add3A_88, %get3A_92 : vector<16xf32>
      %get3A_94 = arith.constant 14 : i32
      %get3A_95 = arith.index_cast %get3A_94 : i32 to index
      %get3A_96 = arith.index_cast %mul3A_26 : i32 to index
      %get3A_97 = tpu.vector_load %arg11[%get3A_95, %get3A_96] {strides = array<i32>} : memref<16x640xf32, #tpu.memory_space<vmem>>, vector<16xf32>,
      %add3A_98 = arith.addf %add3A_93, %get3A_97 : vector<16xf32>
      %get3A_99 = arith.constant 15 : i32
      %get3A_100 = arith.index_cast %get3A_99 : i32 to index
      %get3A_101 = arith.index_cast %mul3A_26 : i32 to index
      %get3A_102 = tpu.vector_load %arg11[%get3A_100, %get3A_101] {strides = array<i32>} : memref<16x640xf32, #tpu.memory_space<vmem>>, vector<16xf32>,
      %add3A_103 = arith.addf %add3A_98, %get3A_102 : vector<16xf32>
      %get3A_104 = arith.index_cast %mul3A_26 : i32 to index
      %get3A_105 = tpu.vector_load %arg12[%get3A_104] {strides = array<i32>} : memref<640xf32, #tpu.memory_space<vmem>>, vector<16xf32>,
      %add3A_106 = arith.addf %add3A_103, %get3A_105 : vector<16xf32>
      %swap3A = arith.index_cast %mul3A_26 : i32 to index
      %swap3A_107 = tpu.vector_load %arg13[%swap3A] {strides = array<i32>} : memref<640xf32, #tpu.memory_space<vmem>>, vector<16xf32>,
      tpu.vector_store %arg13[%swap3A], %add3A_106 {strides = array<i32>} : memref<640xf32, #tpu.memory_space<vmem>>, vector<16xf32>,
      %scan3A_108 = arith.constant 0 : i32
      scf.yield %scan3A_108 : i32
    }
    %scan3A_22 = arith.constant 40 : i32
    "tpu.region"() ({
      %run_scoped3A = tpu.sem_alloc : memref<!tpu.dma_semaphore, #tpu.memory_space<semaphore_mem>>
      %dma_start3A = tpu.memref_slice %arg6[%mul3A_15] : memref<10240xf32, #tpu.memory_space<hbm>> -> memref<640xf32, #tpu.memory_space<hbm>>
      %dma_start3A_23 = tpu.memref_slice %arg6[%mul3A_15] : memref<10240xf32, #tpu.memory_space<hbm>> -> memref<640xf32, #tpu.memory_space<hbm>>
      tpu.enqueue_dma source(%arg13 : memref<640xf32, #tpu.memory_space<vmem>>) target(%dma_start3A_23 : memref<640xf32, #tpu.memory_space<hbm>>) target_semaphore(%run_scoped3A : memref<!tpu.dma_semaphore, #tpu.memory_space<semaphore_mem>>)
      %dma_wait3A = tpu.memref_slice %arg6[%mul3A_15] : memref<10240xf32, #tpu.memory_space<hbm>> -> memref<640xf32, #tpu.memory_space<hbm>>
      %dma_wait3A_24 = tpu.memref_slice %arg6[%mul3A_15] : memref<10240xf32, #tpu.memory_space<hbm>> -> memref<640xf32, #tpu.memory_space<hbm>>
      tpu.wait_dma2 semaphore(%run_scoped3A : memref<!tpu.dma_semaphore, #tpu.memory_space<semaphore_mem>>) src(%arg13 : memref<640xf32, #tpu.memory_space<vmem>>) dst(%dma_wait3A_24 : memref<640xf32, #tpu.memory_space<hbm>>)
      tpu.yield
    }) : () -> ()
    return
  }
}

module attributes {stable_mosaic.version = 14 : i64} {
  func.func @_tc_body(%arg0: i32, %arg1: memref<640x128xf32, #tpu.memory_space<vmem>>, %arg2: memref<640x8xf32, #tpu.memory_space<vmem>>, %arg3: memref<128x2xf32, #tpu.memory_space<vmem>>, %arg4: memref<8x2xf32, #tpu.memory_space<vmem>>, %arg5: memref<640x1xf32, #tpu.memory_space<vmem>>, %arg6: memref<640x1xf32, #tpu.memory_space<vmem>>) attributes {dimension_semantics = [#tpu.dimension_semantics<arbitrary>], iteration_bounds = array<i64: 16>, scalar_prefetch = 0 : i64, scratch_operands = 0 : i64, tpu.core_type = #tpu.core_type<tc>, window_params = [{transform_indices = @transform_0, window_bounds = array<i64: 640, 128>}, {transform_indices = @transform_1, window_bounds = array<i64: 640, 8>}, {pipeline_mode = #tpu.pipeline_mode<synchronous>, transform_indices = @transform_2, window_bounds = array<i64: 128, 2>}, {pipeline_mode = #tpu.pipeline_mode<synchronous>, transform_indices = @transform_3, window_bounds = array<i64: 8, 2>}, {transform_indices = @transform_4, window_bounds = array<i64: 640, 1>}, {transform_indices = @transform_5, window_bounds = array<i64: 640, 1>}]} {
    %get3A = arith.constant 0 : index
    %get3A_0 = arith.constant 0 : index
    %get3A_1 = vector.load %arg1[%get3A, %get3A_0] : memref<640x128xf32, #tpu.memory_space<vmem>>, vector<640x128xf32>
    %get3A_2 = arith.constant 0 : index
    %get3A_3 = arith.constant 0 : index
    %get3A_4 = vector.load %arg3[%get3A_2, %get3A_3] : memref<128x2xf32, #tpu.memory_space<vmem>>, vector<128x2xf32>
    %dot_general3A = arith.constant dense<0.000000e+00> : vector<640x2xf32>
    %dot_general3A_5 = tpu.matmul %get3A_1, %get3A_4, %dot_general3A {dimension_numbers = #tpu.dot_dimension_numbers<[1], [0], [0], [1], [0, 0, 1, 1], [], []>, transpose_lhs_hint = false} : vector<640x128xf32>, vector<128x2xf32>, vector<640x2xf32> -> vector<640x2xf32>
    %get3A_6 = arith.constant 0 : index
    %get3A_7 = arith.constant 0 : index
    %get3A_8 = vector.load %arg2[%get3A_6, %get3A_7] : memref<640x8xf32, #tpu.memory_space<vmem>>, vector<640x8xf32>
    %get3A_9 = arith.constant 0 : index
    %get3A_10 = arith.constant 0 : index
    %get3A_11 = vector.load %arg4[%get3A_9, %get3A_10] : memref<8x2xf32, #tpu.memory_space<vmem>>, vector<8x2xf32>
    %dot_general3A_12 = arith.constant dense<0.000000e+00> : vector<640x2xf32>
    %dot_general3A_13 = tpu.matmul %get3A_8, %get3A_11, %dot_general3A_12 {dimension_numbers = #tpu.dot_dimension_numbers<[1], [0], [0], [1], [0, 0, 1, 1], [], []>, transpose_lhs_hint = false} : vector<640x8xf32>, vector<8x2xf32>, vector<640x2xf32> -> vector<640x2xf32>
    %add3A = arith.addf %dot_general3A_5, %dot_general3A_13 : vector<640x2xf32>
    %slice3A = vector.extract_strided_slice %add3A {offsets = [0, 0], sizes = [640, 1], strides = [1, 1]} : vector<640x2xf32> to vector<640x1xf32>
    %swap3A = arith.constant 0 : index
    %swap3A_14 = arith.constant 0 : index
    %swap3A_15 = vector.load %arg5[%swap3A, %swap3A_14] : memref<640x1xf32, #tpu.memory_space<vmem>>, vector<640x1xf32>
    tpu.vector_store %arg5[%swap3A, %swap3A_14], %slice3A {strides = array<i32>} : memref<640x1xf32, #tpu.memory_space<vmem>>, vector<640x1xf32>,
    %slice3A_16 = vector.extract_strided_slice %add3A {offsets = [0, 1], sizes = [640, 1], strides = [1, 1]} : vector<640x2xf32> to vector<640x1xf32>
    %swap3A_17 = arith.constant 0 : index
    %swap3A_18 = arith.constant 0 : index
    %swap3A_19 = vector.load %arg6[%swap3A_17, %swap3A_18] : memref<640x1xf32, #tpu.memory_space<vmem>>, vector<640x1xf32>
    tpu.vector_store %arg6[%swap3A_17, %swap3A_18], %slice3A_16 {strides = array<i32>} : memref<640x1xf32, #tpu.memory_space<vmem>>, vector<640x1xf32>,
    return
  }
  func.func @transform_0(%arg0: i32) -> (i32, i32) {
    %c0_i32 = arith.constant 0 : i32
    %c0_i32_0 = arith.constant 0 : i32
    return %arg0, %c0_i32 : i32, i32
  }
  func.func @transform_1(%arg0: i32) -> (i32, i32) {
    %c0_i32 = arith.constant 0 : i32
    %c0_i32_0 = arith.constant 0 : i32
    return %arg0, %c0_i32 : i32, i32
  }
  func.func @transform_2(%arg0: i32) -> (i32, i32) {
    %c0_i32 = arith.constant 0 : i32
    %c0_i32_0 = arith.constant 0 : i32
    %c0_i32_1 = arith.constant 0 : i32
    return %c0_i32, %c0_i32_0 : i32, i32
  }
  func.func @transform_3(%arg0: i32) -> (i32, i32) {
    %c0_i32 = arith.constant 0 : i32
    %c0_i32_0 = arith.constant 0 : i32
    %c0_i32_1 = arith.constant 0 : i32
    return %c0_i32, %c0_i32_0 : i32, i32
  }
  func.func @transform_4(%arg0: i32) -> (i32, i32) {
    %c0_i32 = arith.constant 0 : i32
    %c0_i32_0 = arith.constant 0 : i32
    return %arg0, %c0_i32 : i32, i32
  }
  func.func @transform_5(%arg0: i32) -> (i32, i32) {
    %c0_i32 = arith.constant 0 : i32
    %c0_i32_0 = arith.constant 0 : i32
    return %arg0, %c0_i32 : i32, i32
  }
}

</mosaic_0001>

<sc_bundles>
// kernel: kernel.4.cloned.1.call-start
scs
__scs_entry_jumppad:
0x0: {  	(pc) =	sbr.rel $0x88, $3  }
0x1: {  	(tag) =	ssettag $0x0;
	lr =	simm.s32 $0x1  }
0x2: {  	[smem:$0x3F9A] =	sst lr;
	_ =	strace $0xD0000000  }
0x3: {  	_ = 	snop  }
0x4: {  	_ = 	snop  }
0x5: {  	_ = 	snop  }
0x6: {  	_ = 	snop  }
0x7: {  	_ = 	snop  }
__scs_overlays_trampoline_lowered:
0x8: {  	[smem:$0x3FA9] =	sst s0  }
0x9: {  	[smem:$0x3FAA] =	sst s1  }
0xa: {  	[smem:$0x3FAB] =	sst s2  }
0xb: {  	[smem:$0x3FAC] =	sst s3  }
0xc: {  	[smem:$0x3FAD] =	sst s4  }
0xd: {  	[smem:$0x3FAE] =	sst s5  }
0xe: {  	[smem:$0x3FAF] =	sst s6  }
0xf: {  	[smem:$0x3FB0] =	sst s7  }
0x10: {  	[smem:$0x3FB1] =	sst s8  }
0x11: {  	[smem:$0x3FB2] =	sst s9;
	s0 =	simm.s32 @!p0 $0x0  }
0x12: {  	s1 =	sld [smem:$0x3F98];
	s0 =	simm.s32 @p0 $0x1  }
0x13: {  	[smem:$0x3FB3] =	sst s0;
	s0 =	simm.s32 @!p1 $0x0  }
0x14: {  	s2 =	sld [smem:$0x3F97];
	s0 =	simm.s32 @p1 $0x1  }
0x15: {  	[smem:$0x3FB4] =	sst s0;
	s0 =	simm.s32 @!p2 $0x0  }
0x16: {  	s3 =	sld [smem:$0x3FDB];
	s0 =	simm.s32 @p2 $0x1  }
0x17: {  	s4 =	simm.s32 $0x1BF5;
	[smem:$0x3FB6] =	sst s0  }
0x18: {  	s0 =	sld [smem:$0x3F99];
	_ =	swait.ge [sflag:s4], $0x0  }
0x19: {  	s7 =	sld [smem:$0x3F9A]  }
0x1a: {  	s8 =	sadd.s32 $0xFFFFE003, lr  }
0x1b: {  	s9 =	sadd.s32 $0xFFFFFEF7, lr;
	s5 =	simm.s32 $0xFFFFFFFF;
	p2 =	slt.u32 s8, $0xFFFFF086  }
0x1c: {  	p1 =	slt.u32 s9, $0xF7A;
	s5 =	simm.s32 @!p2 $0x0  }
0x1d: {  	s5 =	simm.s32 @p1 $0x1;
	p0 =	seq.s32 s7, s2  }
0x1e: {  	s7 =	smul.u32 @!p0 $0xF7A, s2;
	p2 =	seq.s32 @!p0 s5, $0x0  }
0x1f: {  	s9 =	smul.u32 $0xF7A, s1;
	s8 =	simm.s32 @!p0 $0x1BF5;
	p2 =	por !p2, p0  }
0x20: {  	[sflag:s8] =	ssyncset.s32 @!p0 $0xFFFFF086;
	s6 =	sadd.s32 @!p0 s3, s7;
	s7 =	simm.s32 @!p0 $0x108  }
0x21: {  	s3 =	sadd.s32 s3, s9;
	s6 =	sadd.s32 @!p0 $0x88, s6;
	s7 =	simm.s32 @p2 $0x1082  }
0x22: {  	[simem:s7], [sflag:s8] =	dma.local @!p0 [hbm:s6], $0xF7A  }
0x23: {  	s9 =	sor.u32 $0xD0000000, s2;
	s6 =	simm.s32 $0x108;
	_ =	swait.ge @!p0 [sflag:s8], $0x0  }
0x24: {  	s3 =	sadd.s32 $0x88, s3;
	s6 =	simm.s32 @!p1 $0x1082;
	[sflag:s4] =	ssyncset.s32 $0xFFFFF086  }
0x25: {  	[simem:s6], [sflag:s4] =	dma.local [hbm:s3], $0xF7A  }
0x26: {  	[smem:$0x3F9A] =	sst s1;
	(tag) =	ssettag s2;
	_ =	strace s9  }
0x27: {  	s1 =	sld [smem:$0x3FAA]  }
0x28: {  	s2 =	sld [smem:$0x3FAB]  }
0x29: {  	s4 =	sld [smem:$0x3FAD]  }
0x2a: {  	p0 =	seq.s32 s5, $0x0;
	s5 =	sld [smem:$0x3FAE]  }
0x2b: {  	s6 =	sld [smem:$0x3FAF]  }
0x2c: {  	s7 =	sld [smem:$0x3FB0]  }
0x2d: {  	s3 =	simm.s32 $0x108;
	s8 =	sld [smem:$0x3FB1]  }
0x2e: {  	s3 =	simm.s32 @!p0 $0x1082;
	s9 =	sld [smem:$0x3FB2]  }
0x2f: {  	lr =	sadd.s32 s0, s3;
	s0 =	sld [smem:$0x3FA9]  }
0x30: {  	s3 =	sld [smem:$0x3FAC]  }
0x31: {  	[smem:$0x3FB5] =	sst s10  }
0x32: {  	s10 =	sld [smem:$0x3FB3];
	_ =	sdelay $0x3  }
0x33: {  	p0 =	seq.s32 s10, $0x1;
	s10 =	sld [smem:$0x3FB5];
	_ =	sdelay $0x3  }
0x34: {  	[smem:$0x3FB5] =	sst s10  }
0x35: {  	s10 =	sld [smem:$0x3FB4];
	_ =	sdelay $0x3  }
0x36: {  	p1 =	seq.s32 s10, $0x1;
	s10 =	sld [smem:$0x3FB5];
	_ =	sdelay $0x3  }
0x37: {  	[smem:$0x3FB5] =	sst s10  }
0x38: {  	s10 =	sld [smem:$0x3FB6]  }
0x39: {  	_ = 	snop;
	(pc) =	sbr.ind lr, $3  }
0x3a: {  	_ = 	snop  }
0x3b: {  	_ = 	snop  }
0x3c: {  	p2 =	seq.s32 s10, $0x1;
	s10 =	sld [smem:$0x3FB5]  }
0x3d: {  	_ =	shalt  }
0x3e: {  	_ =	shalt  }
0x3f: {  	_ =	shalt  }
0x40: {  	_ =	shalt  }
0x41: {  	_ =	shalt  }
0x42: {  	_ =	shalt  }
0x43: {  	_ =	shalt  }
0x44: {  	_ =	shalt  }
0x45: {  	_ =	shalt  }
0x46: {  	_ =	shalt  }
0x47: {  	_ =	shalt  }
0x48: {  	_ =	shalt  }
0x49: {  	_ =	shalt  }
0x4a: {  	_ =	shalt  }
0x4b: {  	_ =	shalt  }
0x4c: {  	_ =	shalt  }
0x4d: {  	_ =	shalt  }
0x4e: {  	_ =	shalt  }
0x4f: {  	_ =	shalt  }
0x50: {  	_ =	shalt  }
0x51: {  	_ =	shalt  }
0x52: {  	_ =	shalt  }
0x53: {  	_ =	shalt  }
0x54: {  	_ =	shalt  }
0x55: {  	_ =	shalt  }
0x56: {  	_ =	shalt  }
0x57: {  	_ =	shalt  }
0x58: {  	_ =	shalt  }
0x59: {  	_ =	shalt  }
0x5a: {  	_ =	shalt  }
0x5b: {  	_ =	shalt  }
0x5c: {  	_ =	shalt  }
0x5d: {  	_ =	shalt  }
0x5e: {  	_ =	shalt  }
0x5f: {  	_ =	shalt  }
0x60: {  	_ =	shalt  }
0x61: {  	_ =	shalt  }
0x62: {  	_ =	shalt  }
0x63: {  	_ =	shalt  }
0x64: {  	_ =	shalt  }
0x65: {  	_ =	shalt  }
0x66: {  	_ =	shalt  }
0x67: {  	_ =	shalt  }
0x68: {  	_ =	shalt  }
0x69: {  	_ =	shalt  }
0x6a: {  	_ =	shalt  }
0x6b: {  	_ =	shalt  }
0x6c: {  	_ =	shalt  }
0x6d: {  	_ =	shalt  }
0x6e: {  	_ =	shalt  }
0x6f: {  	_ =	shalt  }
0x70: {  	_ =	shalt  }
0x71: {  	_ =	shalt  }
0x72: {  	_ =	shalt  }
0x73: {  	_ =	shalt  }
0x74: {  	_ =	shalt  }
0x75: {  	_ =	shalt  }
0x76: {  	_ =	shalt  }
0x77: {  	_ =	shalt  }
0x78: {  	_ =	shalt  }
0x79: {  	_ =	shalt  }
0x7a: {  	_ =	shalt  }
0x7b: {  	_ =	shalt  }
0x7c: {  	_ =	shalt  }
0x7d: {  	_ =	shalt  }
0x7e: {  	_ =	shalt  }
0x7f: {  	_ =	shalt  }
0x80: {  	_ =	shalt  }
0x81: {  	_ =	shalt  }
0x82: {  	_ =	shalt  }
0x83: {  	_ =	shalt  }
0x84: {  	_ =	shalt  }
0x85: {  	_ =	shalt  }
0x86: {  	_ =	shalt  }
0x87: {  	_ =	shalt  }
.Lfunc_end0:
.L_simem_size_0:
called_computation_lowered:
.L_overlay_start_0:
0x88: {  	s0 =	sld [smem:$0x3FD9]  }
0x89: {  	s1 =	sld [smem:$0x3FFE];
	_ =	sdelay $0x3  }
0x8a: {  	s0 =	sadd.s32 s1, s0  }
0x8b: {  	[smem:$0x3FC1] =	sst s0  }
0x8c: {  	_ = 	snop  }
0x8d: {  	(tm) =	ssettm $0x1  }
0x8e: {  	s15 =	sld [smem:$0x3FFB];
	_ =	sdelay $0x3  }
0x8f: {  	_ =	strace s15  }
0x90: {  	s0 =	sld [smem:$0x3FFC];
	_ =	sdelay $0x3  }
0x91: {  	_ =	strace s0  }
0x92: {  	s0 =	sld [smem:$0x3FFD];
	_ =	sdelay $0x3  }
0x93: {  	_ =	strace s0  }
0x94: {  	_ =	strace $0x8FFFFFFF  }
0x95: {  	s16 =	sld [smem:$0x3FDB];
	_ =	sdelay $0x1  }
0x96: {  	s17 =	simm.s32 $_scs_section_size  }
0x97: {  	s2 =	simm.s32 $_size__tile_overlayer_lowered;
	s3 =	simm.s32 $_tile_overlayer_lowered  }
0x98: {  	s20 =	simm.s32 $0x1BFF;
	s19 =	sshll.u32 s3, $0x1;
	s0 =	sadd.s32 s17, s16  }
0x99: {  	s4 =	simm.s32 $0x0;
	s18 =	sshll.u32 s2, $0x1;
	s2 =	sadd.s32 s19, s0  }
0x9a: {  	[timem:s4], [sflag:s20] =	dma.local [hbm:s2], s18  }
0x9b: {  	_ =	swait.ge [sflag:s20], s18  }
0x9c: {  	s1 =	ssub.s32 $0x0, s18;
	[sflag:s20] =	ssyncset.done $0x0  }
0x9d: {  	[sflag:s20] =	ssyncadd.s32 s1;
	_ =	sdelay $0x1  }
0x9e: {  	s21 =	simm.s32 $0x1B8B  }
0x9f: {  	_ =	swait.ge [sflag:s21], $0x1  }
0xa0: {  	[sflag:s21] =	ssyncset.done $0x0  }
0xa1: {  	s23 =	simm.s32 $0x1B8E;
	s22 =	sld [smem:$0x3FFE];
	[sflag:s21] =	ssyncadd.s32 $0xFFFFFFFF  }
0xa2: {  	s24 =	simm.s32 $execute0_lowered;
	[smem:$0x3FD2] =	sst s23  }
0xa3: {  	s2 =	sshll.u32 s24, $0x1;
	_ =	strace $0x80000046;
	[dreg:$0x1] =	wrdreg $0xFFFFFFFF  }
0xa4: {  	s25 =	simm.s32 $_size_execute0_lowered;
	s0 =	sadd.s32 s0, s2;
	[dreg:$0x0] =	wrdreg $0x0  }
0xa5: {  	s2 =	sshll.u32 s25, $0x1;
	[dreg:$0x2] =	wrdreg s0  }
0xa6: {  	[dreg:$0x3] =	wrdreg s2  }
0xa7: {  	[dreg:$0x4] =	wrdreg $0xC0  }
0xa8: {  	_ =	task [dreg:s4], $0x5FFFF  }
0xa9: {  	[dreg:$0x1] =	wrdreg $0xFFFFFFFF  }
0xaa: {  	[dreg:$0x0] =	wrdreg $0x60  }
0xab: {  	[dreg:$0x2] =	wrdreg s22  }
0xac: {  	[dreg:$0x3] =	wrdreg $0x11A000  }
0xad: {  	[dreg:$0x4] =	wrdreg $0x9  }
0xae: {  	_ =	task.clear_ibuf [dreg:s4], $0x5FFFF;
	_ =	strace $0x90000046  }
0xaf: {  	s26 =	simm.s32 $0x9;
	_ =	strace $0x80000048  }
0xb0: {  	_ =	swait.ge [sflag:s26], $0x1  }
0xb1: {  	[sflag:s26] =	ssyncadd.s32 $0xFFFFFFFF  }
0xb2: {  	_ =	strace $0x90000048  }
0xb3: {  	_ =	sfence  }
0xb4: {  	s28 =	sld [smem:$0x0];
	_ =	sdelay $0x1  }
0xb5: {  	s29 =	srdreg.scid  }
0xb6: {  	s30 =	sshll.u32 s29, $0xD;
	s31 =	sshrl.u32 s29, $0x2  }
0xb7: {  	s1 =	sand.u32 $0x1, s29;
	s2 =	sand.u32 $0x4000, s30;
	s0 =	sadd.s32 s31, s28  }
0xb8: {  	s1 =	sor.u32 s2, s1;
	s0 =	sshll.u32 s0, $0x11  }
0xb9: {  	s0 =	sor.u32 s0, s1  }
0xba: {  	s0 =	sadd.s32 $0x8F2B, s0  }
0xbb: {  	[sflag:s0] =	ssyncadd.remote.s32 $0x1  }
0xbc: {  	_ =	sfence.sel $0xFFFF  }
0xbd: {  	[dreg:$0x0] =	wrdreg $0xFFFFFFFF;
	(pc) =	sbr.abs _section_cstart, $3  }
0xbe: {  	[dreg:$0x1] =	wrdreg $0xFFFFFFFF  }
0xbf: {  	_ =	task.clear_ibuf [dreg:s4], $0x2FFFF;
	_ =	strace $0x9FFFFFFF  }
0xc0: {  	(tm) =	ssettm $0x7FFFFFFF  }
0xc1: {  	_ =	shalt  }
tec
execute0_lowered:
.L_overlay_start_1:
0x0: {  	(tag) =	ssettag $0x1  }
0x1: {  	s2 =	rddreg [dreg:$0x0]  }
0x2: {  	s3 =	rddreg [dreg:$0x1]  }
0x3: {  	s0 =	rddreg [dreg:$0x2];
	s5 =	simm.s32 $0x0  }
0x4: {  	s1 =	stileid.u32;
	s6 =	simm.s32 $0x1;
	[smem:$0x7FF] =	sst s5  }
0x5: {  	s4 =	sadd.s32 $0x600, s2;
	s30 =	smul.u32 $0x9C4, s1;
	_ =	strace $0x80000047  }
0x6: {  	[tilespmem:s5], [sflag:$0x1] =	stream.linear.gather [hbm4b:s4+s5], $0x2800, $0x38;
	[tilespmem:$0x14200] =	vst v63  }
0x7: {  	_ =	swait.ge [sflag:s6], $0x2800  }
0x8: {  	s4 =	sadd.s32 s30, s2;
	[sflag:s6] =	ssyncset.done $0x0  }
0x9: {  	s8 =	simm.s32 $0x2800;
	s7 =	sadd.s32 $0xB000, s4;
	[sflag:s6] =	ssyncadd.s32 $0xFFFFD800  }
0xa: {  	[tilespmem:s8], [sflag:$0x1] =	stream.linear.gather [hbm4b:s7+s5], $0x4E20, $0x38;
	[tilespmem:$0x14200] =	vst v63  }
0xb: {  	_ =	swait.ge [sflag:s6], $0x4E20  }
0xc: {  	[sflag:s6] =	ssyncset.done $0x0  }
0xd: {  	s31 =	simm.s32 $0x7680;
	s4 =	sadd.s32 $0x1200, s4;
	[sflag:s6] =	ssyncadd.s32 $0xFFFFB1E0  }
0xe: {  	[tilespmem:s31], [sflag:$0x1] =	stream.linear.gather [hbm4b:s4+s5], $0x4E20, $0x38;
	[tilespmem:$0x14200] =	vst v63  }
0xf: {  	_ =	swait.ge [sflag:s6], $0x4E20  }
0x10: {  	[sflag:s6] =	ssyncset.done $0x0  }
0x11: {  	v0 =	vimm.f32 $0.0e+00;
	s4 =	sadd.s32 $0xC00, s2;
	s2 =	sadd.s32 $0x14E00, s2;
	[sflag:s6] =	ssyncadd.s32 $0xFFFFB1E0  }
.LBB2_1:
0x12: {  	p0 =	sne.s32 s5, $0x9FC0  }
.Ltmp0:
0x13: {  	_ = 	snop;
	(pc) =	sbr.rel @p0 .LBB2_1-.Ltmp0, $3  }
0x14: {  	_ =	sdelay $0x1  }
0x15: {  	s6 =	sshra.s32 s5, $0x2  }
0x16: {  	s5 =	sadd.s32 $0x40, s5;
	[tilespmem:s6+$0xC500] =	vst v0  }
0x17: {  	s6 =	simm.s32 $0x0  }
0x18: {  	s5 =	simm.s32 $0xC500;
	s8 =	simm.s32 $0x0;
	s7 =	simm.s32 $0x40  }
.LBB2_3:
0x19: {  	p0 =	sne.s32 s7, $0x13840;
	v0 =	vld [tilespmem:s8+$0x2800];
	_ =	sdelay $0x5  }
0x1a: {  	v1 =	vld [tilespmem:s8+$0x7680];
	_ =	sdelay $0x1  }
0x1b: {  	v0 =	vld.idx.msk [tilespmem:v0+s6+$0x0], $0xffff;
	_ =	sdelay $0x1  }
.Ltmp1:
0x1c: {  	(pc) =	sbr.rel @p0 .LBB2_3-.Ltmp1, $2  }
0x1d: {  	_ =	sdelay $0x2  }
0x1e: {  	s8 =	sshra.s32 s7, $0x2;
	s7 =	sadd.s32 $0x40, s7;
	[tilespmem:v1+s5+$0x0] =	vst.idx.add.f32.msk $0xffff, v0  }
0x1f: {  	v0 =	vld [tilespmem:s8+$0x2800];
	_ =	sdelay $0x4  }
0x20: {  	v1 =	vld [tilespmem:s8+$0x7680];
	_ =	sdelay $0x2  }
0x21: {  	s7 =	sshrl.u32 s1, $0x3;
	v0 =	vld.idx.msk [tilespmem:v0+s6+$0x0], $0xffff  }
0x22: {  	s16 =	smul.u32 $0x50000, s7;
	_ =	sdelay $0x1  }
0x23: {  	s17 =	sshll.u32 s1, $0x7;
	s18 =	simm.s32 $0x80;
	s6 =	sshrl.u32 s16, $0x2  }
0x24: {  	s19 =	simm.s32 $0x400;
	s7 =	sand.u32 $0x380, s17;
	s6 =	sadd.s32 s6, s3  }
0x25: {  	s20 =	simm.s32 $0xC500;
	s21 =	simm.s32 $0x1;
	s6 =	sadd.s32 s7, s6;
	[tilespmem:v1+s5+$0x0] =	vst.idx.add.f32.msk $0xffff, v0  }
0x26: {  	[spmem:s6] =	stream.strided.scatter [tilespmem:s20], [sflag:$0x1], $0x2800, s19, s18, $0x38;
	[tilespmem:$0x14200] =	vst v63  }
0x27: {  	s22 =	smul.u32 $0x5000, s1;
	_ =	swait.ge [sflag:s21], $0x2800  }
0x28: {  	s23 =	simm.s32 $0x1400;
	[sflag:s21] =	ssyncset.done $0x0  }
0x29: {  	s24 =	simm.s32 $0x14000;
	s6 =	sshrl.u32 s22, $0x2;
	[sflag:s21] =	ssyncadd.s32 $0xFFFFD800  }
0x2a: {  	s9 =	simm.s32 $0xED00;
	s6 =	sadd.s32 s6, s3;
	[bflag:$0x0] =	sbarrier.arrive $0xFFFF  }
0x2b: {  	[tilespmem:s9], [sflag:$0x1] =	stream.strided.gather [spmem:s6], $0x2800, s24, s23, $0x38;
	[tilespmem:$0x14200] =	vst v63  }
0x2c: {  	s3 =	smul.u32 $0x50, s1;
	_ =	swait.ge [sflag:s21], $0x2800  }
0x2d: {  	s26 =	simm.s32 $0x0;
	[sflag:s21] =	ssyncset.done $0x0  }
0x2e: {  	s25 =	sadd.s32 s4, s3;
	s4 =	simm.s32 $0x11500;
	[sflag:s21] =	ssyncadd.s32 $0xFFFFD800  }
0x2f: {  	[tilespmem:s4], [sflag:$0x1] =	stream.linear.gather [hbm4b:s25+s26], $0x280, $0x38;
	[tilespmem:$0x14200] =	vst v63  }
0x30: {  	_ =	swait.ge [sflag:s21], $0x280  }
0x31: {  	s28 =	sand.u32 $0x70, s26;
	s7 =	sand.u32 $0x1C00, s26;
	[sflag:s21] =	ssyncset.done $0x0  }
0x32: {  	s29 =	sor.u32 s28, s7;
	[sflag:s21] =	ssyncadd.s32 $0xFFFFFD80  }
0x33: {  	v49 =	vld [tilespmem:s29+$0xED80]  }
0x34: {  	v50 =	vld [tilespmem:s29+$0xED00];
	_ =	sdelay $0x1  }
0x35: {  	v2 =	vld [tilespmem:s29+$0xEE00];
	_ =	sdelay $0x1  }
0x36: {  	v3 =	vld [tilespmem:s29+$0xEE80]  }
0x37: {  	v0 =	vadd.f32 v49, v50  }
0x38: {  	v51 =	vld [tilespmem:s29+$0xEF00]  }
0x39: {  	v0 =	vadd.f32 v2, v0  }
0x3a: {  	v52 =	vld [tilespmem:s29+$0xEF80]  }
0x3b: {  	v0 =	vadd.f32 v3, v0  }
0x3c: {  	v53 =	vld [tilespmem:s29+$0xF000]  }
0x3d: {  	v0 =	vadd.f32 v51, v0  }
0x3e: {  	v54 =	vld [tilespmem:s29+$0xF080]  }
0x3f: {  	v0 =	vadd.f32 v52, v0  }
0x40: {  	v55 =	vld [tilespmem:s29+$0x10100]  }
0x41: {  	v0 =	vadd.f32 v53, v0  }
0x42: {  	v56 =	vld [tilespmem:s29+$0x10180]  }
0x43: {  	v0 =	vadd.f32 v54, v0  }
0x44: {  	v57 =	vld [tilespmem:s29+$0x10200]  }
0x45: {  	v0 =	vadd.f32 v55, v0  }
0x46: {  	v58 =	vld [tilespmem:s29+$0x10280]  }
0x47: {  	v0 =	vadd.f32 v56, v0  }
0x48: {  	v59 =	vld [tilespmem:s29+$0x10300]  }
0x49: {  	v0 =	vadd.f32 v57, v0  }
0x4a: {  	v60 =	vld [tilespmem:s29+$0x10380]  }
0x4b: {  	v0 =	vadd.f32 v58, v0  }
0x4c: {  	v61 =	vld [tilespmem:s29+$0x10400]  }
0x4d: {  	v0 =	vadd.f32 v59, v0  }
0x4e: {  	v62 =	vld [tilespmem:s29+$0x10480]  }
0x4f: {  	v0 =	vadd.f32 v60, v0  }
0x50: {  	v63 =	vld [tilespmem:s4+$0x0]  }
0x51: {  	v0 =	vadd.f32 v61, v0;
	_ =	sdelay $0x1  }
0x52: {  	v0 =	vadd.f32 v62, v0;
	_ =	sdelay $0x1  }
0x53: {  	s30 =	simm.s32 $0x10;
	s7 =	simm.s32 $0x80;
	v0 =	vadd.f32 v63, v0  }
0x54: {  	s31 =	sand.u32 $0x1C00, s7;
	s5 =	simm.s32 $0x11780;
	s6 =	sand.u32 $0x70, s30  }
0x55: {  	s8 =	simm.s32 $0x20;
	s6 =	sor.u32 s6, s31;
	[tilespmem:s5+$0x0] =	vst v0  }
.LBB2_5:
0x56: {  	p0 =	sne.s32 s8, $0x270;
	v0 =	vld [tilespmem:s6+$0xED80]  }
0x57: {  	v1 =	vld [tilespmem:s6+$0xED00];
	_ =	sdelay $0x1  }
0x58: {  	v2 =	vld [tilespmem:s6+$0xEE00];
	_ =	sdelay $0x1  }
0x59: {  	v3 =	vld [tilespmem:s6+$0xEE80]  }
0x5a: {  	v0 =	vadd.f32 v0, v1  }
0x5b: {  	v1 =	vld [tilespmem:s6+$0xEF00]  }
0x5c: {  	v0 =	vadd.f32 v2, v0  }
0x5d: {  	v2 =	vld [tilespmem:s6+$0xEF80]  }
0x5e: {  	v0 =	vadd.f32 v3, v0  }
0x5f: {  	v3 =	vld [tilespmem:s6+$0xF000]  }
0x60: {  	v0 =	vadd.f32 v1, v0  }
0x61: {  	v1 =	vld [tilespmem:s6+$0xF080]  }
0x62: {  	v0 =	vadd.f32 v2, v0  }
0x63: {  	v2 =	vld [tilespmem:s6+$0x10100]  }
0x64: {  	v0 =	vadd.f32 v3, v0  }
0x65: {  	v3 =	vld [tilespmem:s6+$0x10180]  }
0x66: {  	v0 =	vadd.f32 v1, v0  }
0x67: {  	v1 =	vld [tilespmem:s6+$0x10200]  }
0x68: {  	v0 =	vadd.f32 v2, v0  }
0x69: {  	v2 =	vld [tilespmem:s6+$0x10280]  }
0x6a: {  	v0 =	vadd.f32 v3, v0  }
0x6b: {  	v3 =	vld [tilespmem:s6+$0x10300]  }
0x6c: {  	v0 =	vadd.f32 v1, v0  }
0x6d: {  	v1 =	vld [tilespmem:s6+$0x10380]  }
0x6e: {  	v0 =	vadd.f32 v2, v0  }
0x6f: {  	v2 =	vld [tilespmem:s6+$0x10400]  }
0x70: {  	v0 =	vadd.f32 v3, v0  }
0x71: {  	v3 =	vld [tilespmem:s6+$0x10480]  }
0x72: {  	s4 =	sadd.s32 $0x10, s4;
	v0 =	vadd.f32 v1, v0  }
0x73: {  	v1 =	vld [tilespmem:s4+$0x0]  }
0x74: {  	v0 =	vadd.f32 v2, v0;
	_ =	sdelay $0x1  }
.Ltmp2:
0x75: {  	v0 =	vadd.f32 v3, v0;
	(pc) =	sbr.rel @p0 .LBB2_5-.Ltmp2, $4  }
0x76: {  	_ = 	snop  }
0x77: {  	s7 =	sadd.s32 $0x80, s7;
	v0 =	vadd.f32 v1, v0  }
0x78: {  	s5 =	sadd.s32 $0x10, s5;
	s9 =	sand.u32 $0x1C00, s7;
	s6 =	sand.u32 $0x70, s8  }
0x79: {  	s8 =	sadd.s32 $0x10, s8;
	s6 =	sor.u32 s6, s9;
	[tilespmem:s5+$0x0] =	vst v0  }
0x7a: {  	v0 =	vld [tilespmem:s6+$0xED80]  }
0x7b: {  	v1 =	vld [tilespmem:s6+$0xED00];
	_ =	sdelay $0x1  }
0x7c: {  	v2 =	vld [tilespmem:s6+$0xEE00];
	_ =	sdelay $0x1  }
0x7d: {  	v3 =	vld [tilespmem:s6+$0xEE80]  }
0x7e: {  	v0 =	vadd.f32 v0, v1  }
0x7f: {  	v51 =	vld [tilespmem:s6+$0xEF00]  }
0x80: {  	v0 =	vadd.f32 v2, v0  }
0x81: {  	v52 =	vld [tilespmem:s6+$0xEF80]  }
0x82: {  	v0 =	vadd.f32 v3, v0  }
0x83: {  	v53 =	vld [tilespmem:s6+$0xF000]  }
0x84: {  	v0 =	vadd.f32 v51, v0  }
0x85: {  	v54 =	vld [tilespmem:s6+$0xF080]  }
0x86: {  	v0 =	vadd.f32 v52, v0  }
0x87: {  	v55 =	vld [tilespmem:s6+$0x10100]  }
0x88: {  	v0 =	vadd.f32 v53, v0  }
0x89: {  	v56 =	vld [tilespmem:s6+$0x10180]  }
0x8a: {  	v0 =	vadd.f32 v54, v0  }
0x8b: {  	v57 =	vld [tilespmem:s6+$0x10200]  }
0x8c: {  	v0 =	vadd.f32 v55, v0  }
0x8d: {  	v58 =	vld [tilespmem:s6+$0x10280]  }
0x8e: {  	v0 =	vadd.f32 v56, v0  }
0x8f: {  	v59 =	vld [tilespmem:s6+$0x10300]  }
0x90: {  	v0 =	vadd.f32 v57, v0  }
0x91: {  	v60 =	vld [tilespmem:s6+$0x10380]  }
0x92: {  	v0 =	vadd.f32 v58, v0  }
0x93: {  	v61 =	vld [tilespmem:s6+$0x10400]  }
0x94: {  	v0 =	vadd.f32 v59, v0  }
0x95: {  	v62 =	vld [tilespmem:s6+$0x10480]  }
0x96: {  	s4 =	sadd.s32 $0x10, s4;
	v0 =	vadd.f32 v60, v0  }
0x97: {  	v63 =	vld [tilespmem:s4+$0x0]  }
0x98: {  	v0 =	vadd.f32 v61, v0;
	_ =	sdelay $0x1  }
0x99: {  	v0 =	vadd.f32 v62, v0;
	_ =	sdelay $0x1  }
0x9a: {  	v0 =	vadd.f32 v63, v0  }
0x9b: {  	s28 =	sadd.s32 $0x10, s5;
	s2 =	sadd.s32 s2, s3  }
0x9c: {  	s29 =	simm.s32 $0x0;
	s30 =	simm.s32 $0x11780;
	s31 =	simm.s32 $0x1;
	[tilespmem:s28+$0x0] =	vst v0  }
0x9d: {  	[hbm4b:s2+s29] =	stream.linear.scatter [tilespmem:s30], [sflag:$0x1], $0x280, $0x38;
	[tilespmem:$0x14200] =	vst v63  }
0x9e: {  	_ =	swait.ge [sflag:s31], $0x280  }
0x9f: {  	[sflag:s31] =	ssyncset.done $0x0  }
0xa0: {  	[sflag:s31] =	ssyncadd.s32 $0xFFFFFD80  }
0xa1: {  	_ =	sfence.sel $0x180000  }
0xa2: {  	[bflag:$0x0] =	sbarrier.arrive $0xFFFF  }
0xa3: {  	p0 =	sne.s32 s1, $0x0;
	_ =	strace $0x90000047  }
0xa4: {  	s0 =	sadd.s32 @!p0 $0x100000, s0;
	[bflag:$0x2] =	sbarrier.arrive $0xFFFF  }
0xa5: {  	[sflag:s0] =	ssyncadd.tile.s32 @!p0 $0x1;
	_ =	shalt  }
.Lfunc_end2:
_tile_overlayer_lowered:
.L_overlay_start_2:
0xa6: {  	(tag) =	ssettag $0x2  }
0xa7: {  	s0 =	rddreg [dreg:$0x0];
	s2 =	stileid.u32  }
0xa8: {  	s1 =	rddreg [dreg:$0x1];
	p0 =	sne.s32 s2, $0x0  }
0xa9: {  	s3 =	rddreg [dreg:$0x2];
	[bflag:$0x3] =	sbarrier.arrive $0xFFFF;
	s2 =	simm.s32 @!p0 $0x1C01  }
0xaa: {  	[timem:s3], [sflag:s2] =	dma.local @!p0 [hbm:s0], s1  }
0xab: {  	s0 =	simm.s32 @!p0 $0x1  }
0xac: {  	_ =	swait.ge @!p0 [sflag:s0], s1  }
0xad: {  	s1 =	ssub.s32 @!p0 $0x0, s1;
	[sflag:s0] =	ssyncset.done @!p0 $0x0  }
0xae: {  	[sflag:s0] =	ssyncadd.s32 @!p0 s1  }
0xaf: {  	[bflag:$0x3] =	sbarrier.arrive $0xFFFF  }
0xb0: {  	_ =	shalt  }

</sc_bundles>
